<compile_context>
chip_gen: v7x
topology: tpu7x:2x2x1
jax: 0.10.2.dev20260603
libtpu: 0.0.44.dev20260713+nightly
codegen_flags: <defaults>
</compile_context>

<pallas_src>
import math

import jax
import jax.numpy as jnp
from jax import lax
from jax.experimental import pallas as pl
from jax.experimental.pallas import tpu as pltpu

_B, _L = 4096, 50
_EMB = 128
_MAX_INTERVAL = 31536000.0
_BOUNDS = (0.0, 60.0, 300.0, 900.0, 1800.0, 3600.0, 7200.0, 14400.0,
           28800.0, 86400.0, 172800.0, 259200.0, 604800.0, 1209600.0,
           2592000.0, 7776000.0, 15552000.0, 31536000.0)
_TWO_PI = 2.0 * math.pi
_DAY = 24.0 * 3600.0
_WEEK = 7.0 * _DAY

_R = 2048
_NF = 76


def _body(t_ref, lb_ref, pewt_ref, peb_ref, dewt_ref, deb_ref, cb_ref,
          combw_ref, combb_ref, o_ref, w_scr):
    pid = pl.program_id(0)

    @pl.when(pid == 0)
    def _build_w():
        lb = lb_ref[...]
        cb = cb_ref[...]
        pewt = pewt_ref[...]
        dewt = dewt_ref[...]
        peb = peb_ref[...]
        deb = deb_ref[...]
        f32 = jnp.float32
        e = jnp.concatenate([
            jnp.concatenate([lb, jnp.zeros((50, 96), f32)], axis=1),
            jnp.concatenate([jnp.zeros((20, 96), f32), cb], axis=1),
            jnp.concatenate([jnp.zeros((4, 32), f32), pewt,
                             jnp.zeros((4, 64), f32)], axis=1),
            jnp.concatenate([jnp.zeros((1, 64), f32), dewt,
                             jnp.zeros((1, 32), f32)], axis=1),
            jnp.concatenate([jnp.zeros((1, 32), f32), peb, deb,
                             jnp.zeros((1, 32), f32)], axis=1),
        ], axis=0)
        w_scr[...] = lax.dot_general(
            e, combw_ref[...], (((1,), (1,)), ((), ())),
            preferred_element_type=jnp.float32)

    t = t_ref[0]
    mask = t > 0
    maskf = mask.astype(jnp.float32)
    sec = jnp.where(mask, t, 1).astype(jnp.float32)

    logv = jnp.log(sec + 1.0) * 5.0
    log_ids = jnp.clip(logv.astype(jnp.int32), 0, 49)
    iota50 = lax.broadcasted_iota(jnp.int32, (50, _R), 0)
    oh_log = jnp.where(iota50 == log_ids, maskf, 0.0)

    bid = jnp.zeros(sec.shape, jnp.int32)
    for b in _BOUNDS:
        bid = bid + (sec > b).astype(jnp.int32)
    iota20 = lax.broadcasted_iota(jnp.int32, (20, _R), 0)
    oh_cat = jnp.where(iota20 == bid, maskf, 0.0)

    arg_d = _TWO_PI * sec / _DAY
    arg_w = _TWO_PI * sec / _WEEK
    per = jnp.concatenate([jnp.sin(arg_d), jnp.cos(arg_d),
                           jnp.sin(arg_w), jnp.cos(arg_w)], axis=0) * maskf

    nt = jnp.clip(sec / _MAX_INTERVAL, 0.0, 1.0) * maskf

    f = jnp.concatenate([oh_log, oh_cat, per, nt, maskf], axis=0)
    out = lax.dot_general(f, w_scr[...], (((0,), (0,)), ((), ())),
                          preferred_element_type=jnp.float32)
    o_ref[...] = out + combb_ref[...]


def kernel(time_intervals, log_buckets, pe_w, pe_b, de_w, de_b,
           cat_buckets, comb_w, comb_b):
    n = _B * _L
    nb = n // _R
    t3 = time_intervals.reshape(nb, 1, _R)
    full = lambda shape: pl.BlockSpec(shape, lambda i: (0,) * len(shape))
    out = pl.pallas_call(
        _body,
        grid=(nb,),
        in_specs=[
            pl.BlockSpec((1, 1, _R), lambda i: (i, 0, 0)),
            full((50, 32)),
            full((4, 32)),
            full((1, 32)),
            full((1, 32)),
            full((1, 32)),
            full((20, 32)),
            full((128, 128)),
            full((1, 128)),
        ],
        out_specs=pl.BlockSpec((_R, _EMB), lambda i: (i, 0)),
        out_shape=jax.ShapeDtypeStruct((n, _EMB), jnp.float32),
        scratch_shapes=[pltpu.VMEM((_NF, _EMB), jnp.float32)],
    )(t3, log_buckets, pe_w.T, pe_b.reshape(1, 32), de_w.T,
      de_b.reshape(1, 32), cat_buckets, comb_w, comb_b.reshape(1, 128))
    return out.reshape(_B, _L, _EMB)

# --- scband reference (transcript-rebuilt; emitter-appended) ---
"""Pipeline reference for scband-time-interval-encoder-20830591386329 (READ-ONLY COPY).

The authoritative reference and input builder live on the scoring server;
editing this copy changes nothing except your own understanding.
"""

import jax, jax.numpy as jnp
import numpy as np

B, L = 4096, 50
EMB = 128
Q = EMB // 4
MAX_INTERVAL = 31536000


def setup_inputs(seed: int = 0) -> dict:
    key = jax.random.key(seed)
    ks = jax.random.split(key, 8)
    time_intervals = jax.random.randint(ks[0], (B, L), 0, MAX_INTERVAL)
    log_buckets = jax.random.normal(ks[1], (50, Q), dtype=jnp.float32) * 0.02
    pe_w = jax.random.normal(ks[2], (Q, 4), dtype=jnp.float32) * 0.02
    pe_b = jnp.zeros((Q,), dtype=jnp.float32)
    de_w = jax.random.normal(ks[3], (Q, 1), dtype=jnp.float32) * 0.02
    de_b = jnp.zeros((Q,), dtype=jnp.float32)
    cat_buckets = jax.random.normal(ks[4], (20, Q), dtype=jnp.float32) * 0.02
    comb_w = jax.random.normal(ks[5], (EMB, EMB), dtype=jnp.float32) * 0.02
    comb_b = jnp.zeros((EMB,), dtype=jnp.float32)
    return {
        'time_intervals': time_intervals,
        'log_buckets': log_buckets,
        'pe_w': pe_w, 'pe_b': pe_b,
        'de_w': de_w, 'de_b': de_b,
        'cat_buckets': cat_buckets,
        'comb_w': comb_w, 'comb_b': comb_b,
    }


def reference(time_intervals, log_buckets, pe_w, pe_b, de_w, de_b, cat_buckets, comb_w, comb_b):
    mask = time_intervals > 0
    safe = jnp.where(mask, time_intervals, jnp.ones_like(time_intervals))
    sec = safe.astype(jnp.float32)
    # log-bucket embedding lookup
    log_values = jnp.log(sec + 1.0)
    log_ids = jnp.clip((log_values * 5.0).astype(jnp.int32), 0, 49)
    log_feat = jnp.take(log_buckets, log_ids, axis=0)
    # periodic features
    day = 24.0 * 3600.0
    week = 7.0 * day
    periodic = jnp.stack([
        jnp.sin(2.0 * jnp.pi * sec / day),
        jnp.cos(2.0 * jnp.pi * sec / day),
        jnp.sin(2.0 * jnp.pi * sec / week),
        jnp.cos(2.0 * jnp.pi * sec / week),
    ], axis=-1)
    per_feat = periodic @ pe_w.T + pe_b
    # direct normalized feature
    norm_t = jnp.clip(sec / MAX_INTERVAL, 0.0, 1.0)[..., None]
    dir_feat = norm_t @ de_w.T + de_b
    # categorical bucket embedding lookup via searchsorted
    boundaries = jnp.array([0, 60, 300, 900, 1800, 3600, 7200, 14400, 28800,
                            86400, 172800, 259200, 604800, 1209600, 2592000,
                            7776000, 15552000, 31536000], dtype=jnp.float32)
    bucket_ids = jnp.clip(jnp.searchsorted(boundaries, sec), 0, 19)
    cat_feat = jnp.take(cat_buckets, bucket_ids, axis=0)
    combined = jnp.concatenate([log_feat, per_feat, dir_feat, cat_feat], axis=-1)
    combined = combined * mask[..., None].astype(jnp.float32)
    return combined @ comb_w.T + comb_b

if __name__ == "__main__":
    import jax
    _d = setup_inputs()
    print(jax.jit(kernel)(*tuple(_d.values())))

</pallas_src>

<mosaic_0001>
module attributes {stable_mosaic.version = 14 : i64} {
  func.func @_body(%arg0: i32, %arg1: memref<1x1x2048xi32, #tpu.memory_space<vmem>>, %arg2: memref<50x32xf32, #tpu.memory_space<vmem>>, %arg3: memref<4x32xf32, #tpu.memory_space<vmem>>, %arg4: memref<1x32xf32, #tpu.memory_space<vmem>>, %arg5: memref<1x32xf32, #tpu.memory_space<vmem>>, %arg6: memref<1x32xf32, #tpu.memory_space<vmem>>, %arg7: memref<20x32xf32, #tpu.memory_space<vmem>>, %arg8: memref<128x128xf32, #tpu.memory_space<vmem>>, %arg9: memref<1x128xf32, #tpu.memory_space<vmem>>, %arg10: memref<2048x128xf32, #tpu.memory_space<vmem>>, %arg11: memref<76x128xf32, #tpu.memory_space<vmem>>) attributes {dimension_semantics = [#tpu.dimension_semantics<arbitrary>], iteration_bounds = array<i64: 100>, scalar_prefetch = 0 : i64, scratch_operands = 1 : i64, tpu.core_type = #tpu.core_type<tc>, window_params = [{transform_indices = @transform_0, window_bounds = array<i64: 1, 1, 2048>}, {pipeline_mode = #tpu.pipeline_mode<synchronous>, transform_indices = @transform_1, window_bounds = array<i64: 50, 32>}, {pipeline_mode = #tpu.pipeline_mode<synchronous>, transform_indices = @transform_2, window_bounds = array<i64: 4, 32>}, {pipeline_mode = #tpu.pipeline_mode<synchronous>, transform_indices = @transform_3, window_bounds = array<i64: 1, 32>}, {pipeline_mode = #tpu.pipeline_mode<synchronous>, transform_indices = @transform_4, window_bounds = array<i64: 1, 32>}, {pipeline_mode = #tpu.pipeline_mode<synchronous>, transform_indices = @transform_5, window_bounds = array<i64: 1, 32>}, {pipeline_mode = #tpu.pipeline_mode<synchronous>, transform_indices = @transform_6, window_bounds = array<i64: 20, 32>}, {pipeline_mode = #tpu.pipeline_mode<synchronous>, transform_indices = @transform_7, window_bounds = array<i64: 128, 128>}, {pipeline_mode = #tpu.pipeline_mode<synchronous>, transform_indices = @transform_8, window_bounds = array<i64: 1, 128>}, {transform_indices = @transform_9, window_bounds = array<i64: 2048, 128>}]} {
    %eq3A = arith.constant 0 : i32
    %eq3A_0 = arith.cmpi eq, %arg0, %eq3A : i32
    %convert_element_type3A = arith.extui %eq3A_0 : i1 to i32
    %cond3A = arith.constant 0 : i32
    %cond3A_1 = arith.cmpi ne, %convert_element_type3A, %cond3A : i32
    scf.if %cond3A_1 {
      %get3A_164 = arith.constant 0 : index
      %get3A_165 = arith.constant 0 : index
      %get3A_166 = vector.load %arg2[%get3A_164, %get3A_165] : memref<50x32xf32, #tpu.memory_space<vmem>>, vector<50x32xf32>
      %get3A_167 = arith.constant 0 : index
      %get3A_168 = arith.constant 0 : index
      %get3A_169 = vector.load %arg7[%get3A_167, %get3A_168] : memref<20x32xf32, #tpu.memory_space<vmem>>, vector<20x32xf32>
      %get3A_170 = arith.constant 0 : index
      %get3A_171 = arith.constant 0 : index
      %get3A_172 = vector.load %arg3[%get3A_170, %get3A_171] : memref<4x32xf32, #tpu.memory_space<vmem>>, vector<4x32xf32>
      %get3A_173 = arith.constant 0 : index
      %get3A_174 = arith.constant 0 : index
      %get3A_175 = vector.load %arg5[%get3A_173, %get3A_174] : memref<1x32xf32, #tpu.memory_space<vmem>>, vector<1x32xf32>
      %get3A_176 = arith.constant 0 : index
      %get3A_177 = arith.constant 0 : index
      %get3A_178 = vector.load %arg4[%get3A_176, %get3A_177] : memref<1x32xf32, #tpu.memory_space<vmem>>, vector<1x32xf32>
      %get3A_179 = arith.constant 0 : index
      %get3A_180 = arith.constant 0 : index
      %get3A_181 = vector.load %arg6[%get3A_179, %get3A_180] : memref<1x32xf32, #tpu.memory_space<vmem>>, vector<1x32xf32>
      %broadcast_in_dim3A_182 = arith.constant 0.000000e+00 : f32
      %broadcast_in_dim3A_183 = vector.broadcast %broadcast_in_dim3A_182 : f32 to vector<50x96xf32>
      %concatenate3A_184 = tpu.concatenate %get3A_166, %broadcast_in_dim3A_183 in 1 : vector<50x32xf32>, vector<50x96xf32> -> vector<50x128xf32>
      %broadcast_in_dim3A_185 = arith.constant 0.000000e+00 : f32
      %broadcast_in_dim3A_186 = vector.broadcast %broadcast_in_dim3A_185 : f32 to vector<20x96xf32>
      %concatenate3A_187 = tpu.concatenate %broadcast_in_dim3A_186, %get3A_169 in 1 : vector<20x96xf32>, vector<20x32xf32> -> vector<20x128xf32>
      %broadcast_in_dim3A_188 = arith.constant 0.000000e+00 : f32
      %broadcast_in_dim3A_189 = vector.broadcast %broadcast_in_dim3A_188 : f32 to vector<4x32xf32>
      %broadcast_in_dim3A_190 = arith.constant 0.000000e+00 : f32
      %broadcast_in_dim3A_191 = vector.broadcast %broadcast_in_dim3A_190 : f32 to vector<4x64xf32>
      %concatenate3A_192 = tpu.concatenate %broadcast_in_dim3A_189, %get3A_172, %broadcast_in_dim3A_191 in 1 : vector<4x32xf32>, vector<4x32xf32>, vector<4x64xf32> -> vector<4x128xf32>
      %broadcast_in_dim3A_193 = arith.constant 0.000000e+00 : f32
      %broadcast_in_dim3A_194 = vector.broadcast %broadcast_in_dim3A_193 : f32 to vector<1x64xf32>
      %broadcast_in_dim3A_195 = arith.constant 0.000000e+00 : f32
      %broadcast_in_dim3A_196 = vector.broadcast %broadcast_in_dim3A_195 : f32 to vector<1x32xf32>
      %concatenate3A_197 = tpu.concatenate %broadcast_in_dim3A_194, %get3A_175, %broadcast_in_dim3A_196 in 1 : vector<1x64xf32>, vector<1x32xf32>, vector<1x32xf32> -> vector<1x128xf32>
      %broadcast_in_dim3A_198 = arith.constant 0.000000e+00 : f32
      %broadcast_in_dim3A_199 = vector.broadcast %broadcast_in_dim3A_198 : f32 to vector<1x32xf32>
      %broadcast_in_dim3A_200 = arith.constant 0.000000e+00 : f32
      %broadcast_in_dim3A_201 = vector.broadcast %broadcast_in_dim3A_200 : f32 to vector<1x32xf32>
      %concatenate3A_202 = tpu.concatenate %broadcast_in_dim3A_199, %get3A_178, %get3A_181, %broadcast_in_dim3A_201 in 1 : vector<1x32xf32>, vector<1x32xf32>, vector<1x32xf32>, vector<1x32xf32> -> vector<1x128xf32>
      %concatenate3A_203 = tpu.concatenate %concatenate3A_184, %concatenate3A_187, %concatenate3A_192, %concatenate3A_197, %concatenate3A_202 in 0 : vector<50x128xf32>, vector<20x128xf32>, vector<4x128xf32>, vector<1x128xf32>, vector<1x128xf32> -> vector<76x128xf32>
      %get3A_204 = arith.constant 0 : index
      %get3A_205 = arith.constant 0 : index
      %get3A_206 = vector.load %arg8[%get3A_204, %get3A_205] : memref<128x128xf32, #tpu.memory_space<vmem>>, vector<128x128xf32>
      %dot_general3A_207 = arith.constant dense<0.000000e+00> : vector<76x128xf32>
      %dot_general3A_208 = tpu.matmul %concatenate3A_203, %get3A_206, %dot_general3A_207 {dimension_numbers = #tpu.dot_dimension_numbers<[1], [1], [0], [0], [0, 0, 1, 0], [], []>, transpose_lhs_hint = false} : vector<76x128xf32>, vector<128x128xf32>, vector<76x128xf32> -> vector<76x128xf32>
      %swap3A_209 = arith.constant 0 : index
      %swap3A_210 = arith.constant 0 : index
      %swap3A_211 = vector.load %arg11[%swap3A_209, %swap3A_210] : memref<76x128xf32, #tpu.memory_space<vmem>>, vector<76x128xf32>
      tpu.vector_store %arg11[%swap3A_209, %swap3A_210], %dot_general3A_208 {strides = array<i32>} : memref<76x128xf32, #tpu.memory_space<vmem>>, vector<76x128xf32>,
    } else {
    }
    %get3A = arith.constant 0 : index
    %get3A_2 = arith.constant 0 : index
    %get3A_3 = arith.constant 0 : index
    %get3A_4 = vector.load %arg1[%get3A, %get3A_2, %get3A_3] : memref<1x1x2048xi32, #tpu.memory_space<vmem>>, vector<1x1x2048xi32>
    %get3A_5 = vector.shape_cast %get3A_4 : vector<1x1x2048xi32> to vector<1x2048xi32>
    %gt3A = arith.constant 0 : i32
    %gt3A_6 = vector.broadcast %gt3A : i32 to vector<1x2048xi32>
    %gt3A_7 = arith.cmpi sgt, %get3A_5, %gt3A_6 : vector<1x2048xi32>
    %convert_element_type3A_8 = arith.extui %gt3A_7 : vector<1x2048xi1> to vector<1x2048xi32>
    %convert_element_type3A_9 = arith.sitofp %convert_element_type3A_8 : vector<1x2048xi32> to vector<1x2048xf32>
    %jit3A = arith.constant 1 : i32
    %broadcast_in_dim3A = vector.broadcast %jit3A : i32 to vector<1x2048xi32>
    %select_n3A = arith.select %gt3A_7, %get3A_5, %broadcast_in_dim3A : vector<1x2048xi1>, vector<1x2048xi32>
    %convert_element_type3A_10 = arith.sitofp %select_n3A : vector<1x2048xi32> to vector<1x2048xf32>
    %add3A = arith.constant 1.000000e+00 : f32
    %add3A_11 = vector.broadcast %add3A : f32 to vector<1x2048xf32>
    %add3A_12 = arith.addf %convert_element_type3A_10, %add3A_11 : vector<1x2048xf32>
    %log3A = math.log %add3A_12 : vector<1x2048xf32>
    %mul3A = arith.constant 5.000000e+00 : f32
    %mul3A_13 = vector.broadcast %mul3A : f32 to vector<1x2048xf32>
    %mul3A_14 = arith.mulf %log3A, %mul3A_13 : vector<1x2048xf32>
    %convert_element_type3A_15 = arith.fptosi %mul3A_14 : vector<1x2048xf32> to vector<1x2048xi32>
    %jit3A_16 = arith.constant 0 : i32
    %jit3A_17 = arith.constant 49 : i32
    %max3A = vector.broadcast %jit3A_16 : i32 to vector<1x2048xi32>
    %max3A_18 = arith.maxsi %max3A, %convert_element_type3A_15 : vector<1x2048xi32>
    %min3A = vector.broadcast %jit3A_17 : i32 to vector<1x2048xi32>
    %min3A_19 = arith.minsi %min3A, %max3A_18 : vector<1x2048xi32>
    %iota3A = tpu.iota {dimensions = array<i32: 0>} : vector<50x2048xi32>
    %eq3A_20 = vector.broadcast %min3A_19 : vector<1x2048xi32> to vector<50x2048xi32>
    %eq3A_21 = arith.cmpi eq, %iota3A, %eq3A_20 : vector<50x2048xi32>
    %jit3A_22 = arith.constant 0.000000e+00 : f32
    %broadcast_in_dim3A_23 = vector.shape_cast %convert_element_type3A_9 : vector<1x2048xf32> to vector<1x2048xf32>
    %broadcast_in_dim3A_24 = vector.broadcast %broadcast_in_dim3A_23 : vector<1x2048xf32> to vector<50x2048xf32>
    %broadcast_in_dim3A_25 = vector.broadcast %jit3A_22 : f32 to vector<50x2048xf32>
    %select_n3A_26 = arith.select %eq3A_21, %broadcast_in_dim3A_24, %broadcast_in_dim3A_25 : vector<50x2048xi1>, vector<50x2048xf32>
    %broadcast_in_dim3A_27 = arith.constant 0 : i32
    %broadcast_in_dim3A_28 = vector.broadcast %broadcast_in_dim3A_27 : i32 to vector<1x2048xi32>
    %gt3A_29 = arith.constant 0.000000e+00 : f32
    %gt3A_30 = vector.broadcast %gt3A_29 : f32 to vector<1x2048xf32>
    %gt3A_31 = arith.cmpf ogt, %convert_element_type3A_10, %gt3A_30 : vector<1x2048xf32>
    %convert_element_type3A_32 = arith.extui %gt3A_31 : vector<1x2048xi1> to vector<1x2048xi32>
    %add3A_33 = arith.addi %broadcast_in_dim3A_28, %convert_element_type3A_32 : vector<1x2048xi32>
    %gt3A_34 = arith.constant 6.000000e+01 : f32
    %gt3A_35 = vector.broadcast %gt3A_34 : f32 to vector<1x2048xf32>
    %gt3A_36 = arith.cmpf ogt, %convert_element_type3A_10, %gt3A_35 : vector<1x2048xf32>
    %convert_element_type3A_37 = arith.extui %gt3A_36 : vector<1x2048xi1> to vector<1x2048xi32>
    %add3A_38 = arith.addi %add3A_33, %convert_element_type3A_37 : vector<1x2048xi32>
    %gt3A_39 = arith.constant 3.000000e+02 : f32
    %gt3A_40 = vector.broadcast %gt3A_39 : f32 to vector<1x2048xf32>
    %gt3A_41 = arith.cmpf ogt, %convert_element_type3A_10, %gt3A_40 : vector<1x2048xf32>
    %convert_element_type3A_42 = arith.extui %gt3A_41 : vector<1x2048xi1> to vector<1x2048xi32>
    %add3A_43 = arith.addi %add3A_38, %convert_element_type3A_42 : vector<1x2048xi32>
    %gt3A_44 = arith.constant 9.000000e+02 : f32
    %gt3A_45 = vector.broadcast %gt3A_44 : f32 to vector<1x2048xf32>
    %gt3A_46 = arith.cmpf ogt, %convert_element_type3A_10, %gt3A_45 : vector<1x2048xf32>
    %convert_element_type3A_47 = arith.extui %gt3A_46 : vector<1x2048xi1> to vector<1x2048xi32>
    %add3A_48 = arith.addi %add3A_43, %convert_element_type3A_47 : vector<1x2048xi32>
    %gt3A_49 = arith.constant 1.800000e+03 : f32
    %gt3A_50 = vector.broadcast %gt3A_49 : f32 to vector<1x2048xf32>
    %gt3A_51 = arith.cmpf ogt, %convert_element_type3A_10, %gt3A_50 : vector<1x2048xf32>
    %convert_element_type3A_52 = arith.extui %gt3A_51 : vector<1x2048xi1> to vector<1x2048xi32>
    %add3A_53 = arith.addi %add3A_48, %convert_element_type3A_52 : vector<1x2048xi32>
    %gt3A_54 = arith.constant 3.600000e+03 : f32
    %gt3A_55 = vector.broadcast %gt3A_54 : f32 to vector<1x2048xf32>
    %gt3A_56 = arith.cmpf ogt, %convert_element_type3A_10, %gt3A_55 : vector<1x2048xf32>
    %convert_element_type3A_57 = arith.extui %gt3A_56 : vector<1x2048xi1> to vector<1x2048xi32>
    %add3A_58 = arith.addi %add3A_53, %convert_element_type3A_57 : vector<1x2048xi32>
    %gt3A_59 = arith.constant 7.200000e+03 : f32
    %gt3A_60 = vector.broadcast %gt3A_59 : f32 to vector<1x2048xf32>
    %gt3A_61 = arith.cmpf ogt, %convert_element_type3A_10, %gt3A_60 : vector<1x2048xf32>
    %convert_element_type3A_62 = arith.extui %gt3A_61 : vector<1x2048xi1> to vector<1x2048xi32>
    %add3A_63 = arith.addi %add3A_58, %convert_element_type3A_62 : vector<1x2048xi32>
    %gt3A_64 = arith.constant 1.440000e+04 : f32
    %gt3A_65 = vector.broadcast %gt3A_64 : f32 to vector<1x2048xf32>
    %gt3A_66 = arith.cmpf ogt, %convert_element_type3A_10, %gt3A_65 : vector<1x2048xf32>
    %convert_element_type3A_67 = arith.extui %gt3A_66 : vector<1x2048xi1> to vector<1x2048xi32>
    %add3A_68 = arith.addi %add3A_63, %convert_element_type3A_67 : vector<1x2048xi32>
    %gt3A_69 = arith.constant 2.880000e+04 : f32
    %gt3A_70 = vector.broadcast %gt3A_69 : f32 to vector<1x2048xf32>
    %gt3A_71 = arith.cmpf ogt, %convert_element_type3A_10, %gt3A_70 : vector<1x2048xf32>
    %convert_element_type3A_72 = arith.extui %gt3A_71 : vector<1x2048xi1> to vector<1x2048xi32>
    %add3A_73 = arith.addi %add3A_68, %convert_element_type3A_72 : vector<1x2048xi32>
    %gt3A_74 = arith.constant 8.640000e+04 : f32
    %gt3A_75 = vector.broadcast %gt3A_74 : f32 to vector<1x2048xf32>
    %gt3A_76 = arith.cmpf ogt, %convert_element_type3A_10, %gt3A_75 : vector<1x2048xf32>
    %convert_element_type3A_77 = arith.extui %gt3A_76 : vector<1x2048xi1> to vector<1x2048xi32>
    %add3A_78 = arith.addi %add3A_73, %convert_element_type3A_77 : vector<1x2048xi32>
    %gt3A_79 = arith.constant 1.728000e+05 : f32
    %gt3A_80 = vector.broadcast %gt3A_79 : f32 to vector<1x2048xf32>
    %gt3A_81 = arith.cmpf ogt, %convert_element_type3A_10, %gt3A_80 : vector<1x2048xf32>
    %convert_element_type3A_82 = arith.extui %gt3A_81 : vector<1x2048xi1> to vector<1x2048xi32>
    %add3A_83 = arith.addi %add3A_78, %convert_element_type3A_82 : vector<1x2048xi32>
    %gt3A_84 = arith.constant 2.592000e+05 : f32
    %gt3A_85 = vector.broadcast %gt3A_84 : f32 to vector<1x2048xf32>
    %gt3A_86 = arith.cmpf ogt, %convert_element_type3A_10, %gt3A_85 : vector<1x2048xf32>
    %convert_element_type3A_87 = arith.extui %gt3A_86 : vector<1x2048xi1> to vector<1x2048xi32>
    %add3A_88 = arith.addi %add3A_83, %convert_element_type3A_87 : vector<1x2048xi32>
    %gt3A_89 = arith.constant 6.048000e+05 : f32
    %gt3A_90 = vector.broadcast %gt3A_89 : f32 to vector<1x2048xf32>
    %gt3A_91 = arith.cmpf ogt, %convert_element_type3A_10, %gt3A_90 : vector<1x2048xf32>
    %convert_element_type3A_92 = arith.extui %gt3A_91 : vector<1x2048xi1> to vector<1x2048xi32>
    %add3A_93 = arith.addi %add3A_88, %convert_element_type3A_92 : vector<1x2048xi32>
    %gt3A_94 = arith.constant 1.209600e+06 : f32
    %gt3A_95 = vector.broadcast %gt3A_94 : f32 to vector<1x2048xf32>
    %gt3A_96 = arith.cmpf ogt, %convert_element_type3A_10, %gt3A_95 : vector<1x2048xf32>
    %convert_element_type3A_97 = arith.extui %gt3A_96 : vector<1x2048xi1> to vector<1x2048xi32>
    %add3A_98 = arith.addi %add3A_93, %convert_element_type3A_97 : vector<1x2048xi32>
    %gt3A_99 = arith.constant 2.592000e+06 : f32
    %gt3A_100 = vector.broadcast %gt3A_99 : f32 to vector<1x2048xf32>
    %gt3A_101 = arith.cmpf ogt, %convert_element_type3A_10, %gt3A_100 : vector<1x2048xf32>
    %convert_element_type3A_102 = arith.extui %gt3A_101 : vector<1x2048xi1> to vector<1x2048xi32>
    %add3A_103 = arith.addi %add3A_98, %convert_element_type3A_102 : vector<1x2048xi32>
    %gt3A_104 = arith.constant 7.776000e+06 : f32
    %gt3A_105 = vector.broadcast %gt3A_104 : f32 to vector<1x2048xf32>
    %gt3A_106 = arith.cmpf ogt, %convert_element_type3A_10, %gt3A_105 : vector<1x2048xf32>
    %convert_element_type3A_107 = arith.extui %gt3A_106 : vector<1x2048xi1> to vector<1x2048xi32>
    %add3A_108 = arith.addi %add3A_103, %convert_element_type3A_107 : vector<1x2048xi32>
    %gt3A_109 = arith.constant 1.555200e+07 : f32
    %gt3A_110 = vector.broadcast %gt3A_109 : f32 to vector<1x2048xf32>
    %gt3A_111 = arith.cmpf ogt, %convert_element_type3A_10, %gt3A_110 : vector<1x2048xf32>
    %convert_element_type3A_112 = arith.extui %gt3A_111 : vector<1x2048xi1> to vector<1x2048xi32>
    %add3A_113 = arith.addi %add3A_108, %convert_element_type3A_112 : vector<1x2048xi32>
    %gt3A_114 = arith.constant 3.153600e+07 : f32
    %gt3A_115 = vector.broadcast %gt3A_114 : f32 to vector<1x2048xf32>
    %gt3A_116 = arith.cmpf ogt, %convert_element_type3A_10, %gt3A_115 : vector<1x2048xf32>
    %convert_element_type3A_117 = arith.extui %gt3A_116 : vector<1x2048xi1> to vector<1x2048xi32>
    %add3A_118 = arith.addi %add3A_113, %convert_element_type3A_117 : vector<1x2048xi32>
    %iota3A_119 = tpu.iota {dimensions = array<i32: 0>} : vector<20x2048xi32>
    %eq3A_120 = vector.broadcast %add3A_118 : vector<1x2048xi32> to vector<20x2048xi32>
    %eq3A_121 = arith.cmpi eq, %iota3A_119, %eq3A_120 : vector<20x2048xi32>
    %jit3A_122 = arith.constant 0.000000e+00 : f32
    %broadcast_in_dim3A_123 = vector.shape_cast %convert_element_type3A_9 : vector<1x2048xf32> to vector<1x2048xf32>
    %broadcast_in_dim3A_124 = vector.broadcast %broadcast_in_dim3A_123 : vector<1x2048xf32> to vector<20x2048xf32>
    %broadcast_in_dim3A_125 = vector.broadcast %jit3A_122 : f32 to vector<20x2048xf32>
    %select_n3A_126 = arith.select %eq3A_121, %broadcast_in_dim3A_124, %broadcast_in_dim3A_125 : vector<20x2048xi1>, vector<20x2048xf32>
    %mul3A_127 = arith.constant 6.28318548 : f32
    %mul3A_128 = vector.broadcast %mul3A_127 : f32 to vector<1x2048xf32>
    %mul3A_129 = arith.mulf %mul3A_128, %convert_element_type3A_10 : vector<1x2048xf32>
    %div3A = arith.constant 8.640000e+04 : f32
    %div3A_130 = vector.broadcast %div3A : f32 to vector<1x2048xf32>
    %div3A_131 = arith.divf %mul3A_129, %div3A_130 : vector<1x2048xf32>
    %mul3A_132 = arith.constant 6.28318548 : f32
    %mul3A_133 = vector.broadcast %mul3A_132 : f32 to vector<1x2048xf32>
    %mul3A_134 = arith.mulf %mul3A_133, %convert_element_type3A_10 : vector<1x2048xf32>
    %div3A_135 = arith.constant 6.048000e+05 : f32
    %div3A_136 = vector.broadcast %div3A_135 : f32 to vector<1x2048xf32>
    %div3A_137 = arith.divf %mul3A_134, %div3A_136 : vector<1x2048xf32>
    %sin3A = math.sin %div3A_131 : vector<1x2048xf32>
    %cos3A = math.cos %div3A_131 : vector<1x2048xf32>
    %sin3A_138 = math.sin %div3A_137 : vector<1x2048xf32>
    %cos3A_139 = math.cos %div3A_137 : vector<1x2048xf32>
    %concatenate3A = tpu.concatenate %sin3A, %cos3A, %sin3A_138, %cos3A_139 in 0 : vector<1x2048xf32>, vector<1x2048xf32>, vector<1x2048xf32>, vector<1x2048xf32> -> vector<4x2048xf32>
    %mul3A_140 = vector.broadcast %convert_element_type3A_9 : vector<1x2048xf32> to vector<4x2048xf32>
    %mul3A_141 = arith.mulf %concatenate3A, %mul3A_140 : vector<4x2048xf32>
    %div3A_142 = arith.constant 3.153600e+07 : f32
    %div3A_143 = vector.broadcast %div3A_142 : f32 to vector<1x2048xf32>
    %div3A_144 = arith.divf %convert_element_type3A_10, %div3A_143 : vector<1x2048xf32>
    %jit3A_145 = arith.constant 0.000000e+00 : f32
    %jit3A_146 = arith.constant 1.000000e+00 : f32
    %max3A_147 = vector.broadcast %jit3A_145 : f32 to vector<1x2048xf32>
    %max3A_148 = arith.maximumf %max3A_147, %div3A_144 : vector<1x2048xf32>
    %min3A_149 = vector.broadcast %jit3A_146 : f32 to vector<1x2048xf32>
    %min3A_150 = arith.minimumf %min3A_149, %max3A_148 : vector<1x2048xf32>
    %mul3A_151 = arith.mulf %min3A_150, %convert_element_type3A_9 : vector<1x2048xf32>
    %concatenate3A_152 = tpu.concatenate %select_n3A_26, %select_n3A_126, %mul3A_141, %mul3A_151, %convert_element_type3A_9 in 0 : vector<50x2048xf32>, vector<20x2048xf32>, vector<4x2048xf32>, vector<1x2048xf32>, vector<1x2048xf32> -> vector<76x2048xf32>
    %get3A_153 = arith.constant 0 : index
    %get3A_154 = arith.constant 0 : index
    %get3A_155 = vector.load %arg11[%get3A_153, %get3A_154] : memref<76x128xf32, #tpu.memory_space<vmem>>, vector<76x128xf32>
    %dot_general3A = arith.constant dense<0.000000e+00> : vector<2048x128xf32>
    %dot_general3A_156 = tpu.matmul %concatenate3A_152, %get3A_155, %dot_general3A {dimension_numbers = #tpu.dot_dimension_numbers<[0], [0], [1], [1], [0, 1, 1, 1], [], []>, transpose_lhs_hint = false} : vector<76x2048xf32>, vector<76x128xf32>, vector<2048x128xf32> -> vector<2048x128xf32>
    %get3A_157 = arith.constant 0 : index
    %get3A_158 = arith.constant 0 : index
    %get3A_159 = vector.load %arg9[%get3A_157, %get3A_158] : memref<1x128xf32, #tpu.memory_space<vmem>>, vector<1x128xf32>
    %add3A_160 = vector.broadcast %get3A_159 : vector<1x128xf32> to vector<2048x128xf32>
    %add3A_161 = arith.addf %dot_general3A_156, %add3A_160 : vector<2048x128xf32>
    %swap3A = arith.constant 0 : index
    %swap3A_162 = arith.constant 0 : index
    %swap3A_163 = vector.load %arg10[%swap3A, %swap3A_162] : memref<2048x128xf32, #tpu.memory_space<vmem>>, vector<2048x128xf32>
    tpu.vector_store %arg10[%swap3A, %swap3A_162], %add3A_161 {strides = array<i32>} : memref<2048x128xf32, #tpu.memory_space<vmem>>, vector<2048x128xf32>,
    return
  }
  func.func @transform_0(%arg0: i32) -> (i32, i32, i32) {
    %c0_i32 = arith.constant 0 : i32
    %c0_i32_0 = arith.constant 0 : i32
    %c0_i32_1 = arith.constant 0 : i32
    return %arg0, %c0_i32, %c0_i32_0 : i32, i32, i32
  }
  func.func @transform_1(%arg0: i32) -> (i32, i32) {
    %c0_i32 = arith.constant 0 : i32
    %c0_i32_0 = arith.constant 0 : i32
    %c0_i32_1 = arith.constant 0 : i32
    return %c0_i32, %c0_i32_0 : i32, i32
  }
  func.func @transform_2(%arg0: i32) -> (i32, i32) {
    %c0_i32 = arith.constant 0 : i32
    %c0_i32_0 = arith.constant 0 : i32
    %c0_i32_1 = arith.constant 0 : i32
    return %c0_i32, %c0_i32_0 : i32, i32
  }
  func.func @transform_3(%arg0: i32) -> (i32, i32) {
    %c0_i32 = arith.constant 0 : i32
    %c0_i32_0 = arith.constant 0 : i32
    %c0_i32_1 = arith.constant 0 : i32
    return %c0_i32, %c0_i32_0 : i32, i32
  }
  func.func @transform_4(%arg0: i32) -> (i32, i32) {
    %c0_i32 = arith.constant 0 : i32
    %c0_i32_0 = arith.constant 0 : i32
    %c0_i32_1 = arith.constant 0 : i32
    return %c0_i32, %c0_i32_0 : i32, i32
  }
  func.func @transform_5(%arg0: i32) -> (i32, i32) {
    %c0_i32 = arith.constant 0 : i32
    %c0_i32_0 = arith.constant 0 : i32
    %c0_i32_1 = arith.constant 0 : i32
    return %c0_i32, %c0_i32_0 : i32, i32
  }
  func.func @transform_6(%arg0: i32) -> (i32, i32) {
    %c0_i32 = arith.constant 0 : i32
    %c0_i32_0 = arith.constant 0 : i32
    %c0_i32_1 = arith.constant 0 : i32
    return %c0_i32, %c0_i32_0 : i32, i32
  }
  func.func @transform_7(%arg0: i32) -> (i32, i32) {
    %c0_i32 = arith.constant 0 : i32
    %c0_i32_0 = arith.constant 0 : i32
    %c0_i32_1 = arith.constant 0 : i32
    return %c0_i32, %c0_i32_0 : i32, i32
  }
  func.func @transform_8(%arg0: i32) -> (i32, i32) {
    %c0_i32 = arith.constant 0 : i32
    %c0_i32_0 = arith.constant 0 : i32
    %c0_i32_1 = arith.constant 0 : i32
    return %c0_i32, %c0_i32_0 : i32, i32
  }
  func.func @transform_9(%arg0: i32) -> (i32, i32) {
    %c0_i32 = arith.constant 0 : i32
    %c0_i32_0 = arith.constant 0 : i32
    return %arg0, %c0_i32 : i32, i32
  }
}

</mosaic_0001>

<sc_bundles>
// kernel: sparse-core-data-format-call.cloned.1.call-start
scs
called_computation_lowered:
.L_overlay_start_0:
0x0: {  	s2 =	sld [smem:$0x3FD9]  }
0x1: {  	s3 =	sld [smem:$0x3FFE];
	_ =	sdelay $0x1  }
0x2: {  	s1 =	srdreg.scid  }
0x3: {  	s0 =	sand.u32 $0x1, s1  }
0x4: {  	s18 =	sshll.u32 s0, $0xA;
	s2 =	sadd.s32 s3, s2  }
0x5: {  	s2 =	sadd.s32 s2, s18  }
0x6: {  	[smem:$0x3FBF] =	sst s2  }
0x7: {  	_ = 	snop  }
0x8: {  	s2 =	sld [smem:$0x3FD0];
	(tm) =	ssettm $0x1  }
0x9: {  	s19 =	sld [smem:$0x3FFB];
	_ =	sdelay $0x3  }
0xa: {  	_ =	strace s19  }
0xb: {  	s3 =	sld [smem:$0x3FFC];
	_ =	sdelay $0x3  }
0xc: {  	_ =	strace s3  }
0xd: {  	s3 =	sld [smem:$0x3FFD];
	_ =	sdelay $0x3  }
0xe: {  	_ =	strace s3  }
0xf: {  	_ =	strace $0x8FFFFFFF  }
0x10: {  	s20 =	sld [smem:$0x3FDB];
	_ =	sdelay $0x1  }
0x11: {  	s4 =	simm.s32 $_scs_section_size  }
0x12: {  	s5 =	simm.s32 $_size__tile_overlayer_lowered;
	s6 =	simm.s32 $_tile_overlayer_lowered  }
0x13: {  	s23 =	simm.s32 $0x1BFF;
	s22 =	sshll.u32 s6, $0x1;
	s3 =	sadd.s32 s4, s20  }
0x14: {  	s7 =	simm.s32 $0x0;
	s21 =	sshll.u32 s5, $0x1;
	s5 =	sadd.s32 s22, s3  }
0x15: {  	[timem:s7], [sflag:s23] =	dma.local [hbm:s5], s21  }
0x16: {  	_ =	swait.ge [sflag:s23], s21  }
0x17: {  	s4 =	ssub.s32 $0x0, s21;
	[sflag:s23] =	ssyncset.done $0x0  }
0x18: {  	[sflag:s23] =	ssyncadd.s32 s4;
	_ =	sdelay $0x1  }
0x19: {  	s24 =	simm.s32 $0x1B8B  }
0x1a: {  	_ =	swait.ge [sflag:s24], $0x1  }
0x1b: {  	[sflag:s24] =	ssyncset.done $0x0  }
0x1c: {  	s26 =	simm.s32 $0x1B8E;
	s25 =	sld [smem:$0x3FFE];
	[sflag:s24] =	ssyncadd.s32 $0xFFFFFFFF  }
0x1d: {  	s27 =	simm.s32 $execute0_lowered;
	[smem:$0x3FD2] =	sst s26  }
0x1e: {  	s5 =	sshll.u32 s27, $0x1;
	_ =	strace $0x80000046;
	[dreg:$0x1] =	wrdreg $0xFFFFFFFF  }
0x1f: {  	s28 =	simm.s32 $_size_execute0_lowered;
	s3 =	sadd.s32 s3, s5;
	[dreg:$0x0] =	wrdreg $0x0  }
0x20: {  	s5 =	sshll.u32 s28, $0x1;
	[dreg:$0x2] =	wrdreg s3  }
0x21: {  	[dreg:$0x3] =	wrdreg s5  }
0x22: {  	[dreg:$0x4] =	wrdreg $0xC0  }
0x23: {  	_ =	task [dreg:s7], $0x5FFFF  }
0x24: {  	[dreg:$0x1] =	wrdreg $0xFFFFFFFF  }
0x25: {  	[dreg:$0x0] =	wrdreg $0x60  }
0x26: {  	[dreg:$0x2] =	wrdreg s25  }
0x27: {  	[dreg:$0x3] =	wrdreg s2  }
0x28: {  	[dreg:$0x4] =	wrdreg $0x9  }
0x29: {  	_ =	task.clear_ibuf [dreg:s7], $0x5FFFF;
	_ =	strace $0x90000046  }
0x2a: {  	s29 =	simm.s32 $0x9;
	_ =	strace $0x80000048  }
0x2b: {  	_ =	swait.ge [sflag:s29], $0x1  }
0x2c: {  	[sflag:s29] =	ssyncadd.s32 $0xFFFFFFFF  }
0x2d: {  	_ =	strace $0x90000048  }
0x2e: {  	_ =	sfence  }
0x2f: {  	s30 =	sld [smem:$0x0];
	_ =	sdelay $0x2  }
0x30: {  	s31 =	sshll.u32 s1, $0xD;
	s1 =	sshrl.u32 s1, $0x2  }
0x31: {  	s3 =	sand.u32 $0x4000, s31;
	s1 =	sadd.s32 s1, s30  }
0x32: {  	s0 =	sor.u32 s3, s0;
	s1 =	sshll.u32 s1, $0x11  }
0x33: {  	s0 =	sor.u32 s1, s0  }
0x34: {  	s0 =	sadd.s32 $0x8F2B, s0  }
0x35: {  	[sflag:s0] =	ssyncadd.remote.s32 $0x1  }
0x36: {  	_ =	sfence.sel $0xFFFF  }
0x37: {  	[dreg:$0x0] =	wrdreg $0xFFFFFFFF;
	(pc) =	sbr.abs _section_cstart, $3  }
0x38: {  	[dreg:$0x1] =	wrdreg $0xFFFFFFFF  }
0x39: {  	_ =	task.clear_ibuf [dreg:s7], $0x2FFFF;
	_ =	strace $0x9FFFFFFF  }
0x3a: {  	(tm) =	ssettm $0x7FFFFFFF  }
0x3b: {  	_ =	shalt  }
tec
execute0_lowered:
.L_overlay_start_1:
0x0: {  	(tag) =	ssettag $0x1  }
0x1: {  	s0 =	srdreg.scid  }
0x2: {  	s1 =	sshll.u32 s0, $0x4  }
0x3: {  	s0 =	stileid.u32;
	s1 =	sand.u32 $0x10, s1  }
0x4: {  	s1 =	sor.u32 s0, s1  }
0x5: {  	s6 =	rddreg [dreg:$0x0];
	s4 =	simm.s32 $0x1;
	s2 =	sshll.u32 s1, $0x6  }
0x6: {  	s7 =	simm.s32 $0x2;
	s13 =	simm.s32 $0x0;
	s1 =	ssub.s32 $0x1000, s2  }
0x7: {  	s8 =	simm.s32 $0x2000;
	s9 =	simm.s32 $0x80000;
	s3 =	sand.u32 $0x7C0, s1  }
0x8: {  	s14 =	simm.s32 $0x0;
	s5 =	sshrl.u32 s1, $0xB;
	p0 =	sne.s32 s3, $0x0  }
.Ltmp0:
0x9: {  	s1 =	rddreg [dreg:$0x2];
	s4 =	simm.s32 @!p0 $0x0;
	(pc) =	sbr.rel .LBB1_1-.Ltmp0, $4  }
0xa: {  	s10 =	simm.s32 $0x0;
	s3 =	rddreg [dreg:$0x1];
	s5 =	sadd.s32 s4, s5  }
0xb: {  	_ =	strace $0x80000047;
	s4 =	simm.s32 $0x1;
	s5 =	smul.u32 $0x19, s5  }
0xc: {  	s12 =	simm.s32 $0x0;
	s6 =	sadd.s32 $0x1200, s6;
	[sflag:s4] =	ssyncpa.u1 $0x0  }
0xd: {  	s11 =	smov.u32 s2;
	[sflag:s7] =	ssyncpa.u1 $0x0;
	s7 =	sadd.s32 $0x1, s5  }
.LBB1_7:
0xe: {  	s15 =	sadd.s32 $0x2, s10  }
0xf: {  	s13 =	sadd.s32 $0x800, s11;
	s17 =	smov.u32 s11;
	p1 =	sgt.s32 s15, $0x31  }
0x10: {  	s17 =	smov.u32 @p1 s13  }
0x11: {  	s15 =	simm.s32 @p1 $0x0;
	p1 =	sgt.s32 s17, $0xFFF  }
0x12: {  	s17 =	smov.u32 @p1 s2;
	p1 =	sne.s32 s12, s7  }
.Ltmp1:
0x13: {  	p0 =	slt.u32 s12, $0x2;
	(pc) =	sbr.rel @!p1 .LBB1_8-.Ltmp1, $4  }
0x14: {  	s16 =	simm.s32 @!p0 $0x2  }
0x15: {  	s14 =	smov.u32 s11;
	_ =	swait.ge @!p0 [sflag:s16], $0x4000  }
0x16: {  	s13 =	smov.u32 s10;
	[sflag:s16] =	ssyncset.done @!p0 $0x0;
	s10 =	smov.u32 s15  }
0x17: {  	s12 =	sadd.s32 $0x1, s12;
	[sflag:s16] =	ssyncadd.s32 @!p0 $0xFFFFC000;
	s11 =	smov.u32 s17  }
.LBB1_1:
0x18: {  	p0 =	sge.u32 s12, s5  }
0x19: {  	s15 =	sand.u32 @!p0 $0x1FFFFFF, s10  }
0x1a: {  	s16 =	smulhi.u32 @!p0 $0x4924925, s15;
	_ =	sdelay $0x1  }
0x1b: {  	s16 =	smul.u32 @!p0 $0x38, s16  }
0x1c: {  	s17 =	sxor.u32 @!p0 $0xFFFFFFFF, s12;
	s18 =	smul.u32 @!p0 $0x380, s11  }
0x1d: {  	s31 =	sadd.s32 $0xFFFFFFFF, s12;
	s17 =	sshll.u32 @!p0 s17, $0xE;
	s15 =	ssub.s32 @!p0 s15, s16  }
0x1e: {  	s16 =	sand.u32 @!p0 $0x4000, s17;
	s17 =	sadd.s32 @!p0 s6, s18;
	s15 =	sshll.u32 @!p0 s15, $0x4  }
0x1f: {  	s18 =	simm.s32 @!p0 $0x1C00;
	s15 =	sadd.s32 @!p0 s15, s17;
	s17 =	simm.s32 @!p0 $0x100  }
0x20: {  	[tilespmem:s16], [sflag:$0x1] =	stream.strided.gather @!p0 [hbm4b:s15+s17], $0x4000, s18, s17, $0x38;
	[tilespmem:$0x10000] =	vst v63  }
0x21: {  	p0 =	sge.u32 s31, s5  }
.Ltmp2:
0x22: {  	_ = 	snop;
	(pc) =	sbr.rel @p0 .LBB1_7-.Ltmp2, $1  }
0x23: {  	_ =	sdelay $0x3  }
0x24: {  	_ =	swait.ge [sflag:s4], $0x4000;
	s15 =	sshll.u32 s12, $0xE  }
0x25: {  	[sflag:s4] =	ssyncset.done $0x0;
	s16 =	sand.u32 $0x4000, s15  }
0x26: {  	s17 =	simm.s32 $0x0;
	[sflag:s4] =	ssyncadd.s32 $0xFFFFC000;
	s15 =	sor.u32 $0x8000, s16  }
.LBB1_3:
0x27: {  	s18 =	sshll.u32 s17, $0x8  }
0x28: {  	s18 =	sand.u32 $0x3FFFFF00, s18  }
0x29: {  	s19 =	sshll.u32 s17, $0x7;
	s18 =	sadd.s32 s18, s16  }
0x2a: {  	s19 =	sand.u32 $0x3FFFFF80, s19;
	v0 =	vmov s18  }
0x2b: {  	s19 =	sadd.s32 s19, s15  }
0x2c: {  	p0 =	por $0x1, $0x1;
	v1 =	vmov s19;
	s18 =	simm.s32 $0x0  }
.LBB1_4:
0x2d: {  	s19 =	sshll.u32 s18, $0x7  }
0x2e: {  	s19 =	sand.u32 $0x3FFFFF80, s19  }
0x2f: {  	v2 =	vld.idx.msk [tilespmem:v0+s19+$0x0 ss:$0x1], $0xffff  }
0x30: {  	v3 =	vld.idx.msk [tilespmem:v0+s19+$0x10 ss:$0x1], $0xffff  }
0x31: {  	v4 =	vld.idx.msk [tilespmem:v0+s19+$0x20 ss:$0x1], $0xffff  }
0x32: {  	s31 =	sshll.u32 s18, $0xD;
	v5 =	vld.idx.msk [tilespmem:v0+s19+$0x30 ss:$0x1], $0xffff  }
0x33: {  	s18 =	sand.u32 $0x3FFFE000, s31;
	v6 =	vld.idx.msk [tilespmem:v0+s19+$0x40 ss:$0x1], $0xffff  }
0x34: {  	v63 =	vld.idx.msk [tilespmem:v0+s19+$0x70 ss:$0x1], $0xffff;
	[tilespmem:v1+s18+$0x0 ss:$0x1] =	vst.idx.msk $0xffff, v2  }
0x35: {  	v2 =	vld.idx.msk [tilespmem:v0+s19+$0x50 ss:$0x1], $0xffff;
	[tilespmem:v1+s18+$0x10 ss:$0x1] =	vst.idx.msk $0xffff, v3  }
0x36: {  	p1 =	por p0, p0;
	v3 =	vld.idx.msk [tilespmem:v0+s19+$0x60 ss:$0x1], $0xffff;
	[tilespmem:v1+s18+$0x20 ss:$0x1] =	vst.idx.msk $0xffff, v4  }
.Ltmp3:
0x37: {  	[tilespmem:v1+s18+$0x30 ss:$0x1] =	vst.idx.msk $0xffff, v5;
	(pc) =	sbr.rel @p1 .LBB1_4-.Ltmp3, $4  }
0x38: {  	[tilespmem:v1+s18+$0x40 ss:$0x1] =	vst.idx.msk $0xffff, v6  }
0x39: {  	[tilespmem:v1+s18+$0x70 ss:$0x1] =	vst.idx.msk $0xffff, v63  }
0x3a: {  	[tilespmem:v1+s18+$0x50 ss:$0x1] =	vst.idx.msk $0xffff, v2  }
0x3b: {  	p0 =	por $0x0, $0x0;
	[tilespmem:v1+s18+$0x60 ss:$0x1] =	vst.idx.msk $0xffff, v3;
	s18 =	simm.s32 $0x1  }
0x3c: {  	s17 =	sadd.s32 $0x1, s17  }
0x3d: {  	p0 =	sne.s32 s17, $0x40  }
.Ltmp4:
0x3e: {  	_ = 	snop;
	(pc) =	sbr.rel @p0 .LBB1_3-.Ltmp4, $1  }
0x3f: {  	_ =	sdelay $0x3  }
.Ltmp5:
0x40: {  	s14 =	sshll.u32 s14, $0x4;
	(pc) =	sbr.rel .LBB1_7-.Ltmp5, $4  }
0x41: {  	s14 =	sand.u32 $0xFFF0, s14  }
0x42: {  	s13 =	sshll.u32 s13, $0x10;
	s14 =	sadd.s32 s3, s14  }
0x43: {  	s13 =	sadd.s32 s13, s14  }
0x44: {  	[hbm4b:s13+s8] =	stream.strided.scatter [tilespmem:s15], [sflag:$0x2], $0x4000, s9, s8, $0x38;
	[tilespmem:$0x10000] =	vst v63  }
.LBB1_8:
0x45: {  	_ =	sfence.sel $0x180000  }
0x46: {  	s2 =	simm.s32 $0x1;
	[bflag:$0x0] =	sbarrier.arrive $0xFFFF  }
0x47: {  	s31 =	simm.s32 $0x2;
	[sflag:s2] =	ssyncpa.u1 $0x1  }
0x48: {  	[sflag:s31] =	ssyncpa.u1 $0x1  }
0x49: {  	p0 =	sne.s32 s0, $0x0;
	_ =	strace $0x90000047  }
0x4a: {  	s0 =	sadd.s32 @!p0 $0x100000, s1;
	[bflag:$0x2] =	sbarrier.arrive $0xFFFF  }
0x4b: {  	[sflag:s0] =	ssyncadd.tile.s32 @!p0 $0x1;
	_ =	shalt  }
.Lfunc_end1:
_tile_overlayer_lowered:
.L_overlay_start_2:
0x4c: {  	(tag) =	ssettag $0x2  }
0x4d: {  	s0 =	rddreg [dreg:$0x0];
	s2 =	stileid.u32  }
0x4e: {  	s1 =	rddreg [dreg:$0x1];
	p0 =	sne.s32 s2, $0x0  }
0x4f: {  	s3 =	rddreg [dreg:$0x2];
	[bflag:$0x3] =	sbarrier.arrive $0xFFFF;
	s2 =	simm.s32 @!p0 $0x1C01  }
0x50: {  	[timem:s3], [sflag:s2] =	dma.local @!p0 [hbm:s0], s1  }
0x51: {  	s0 =	simm.s32 @!p0 $0x1  }
0x52: {  	_ =	swait.ge @!p0 [sflag:s0], s1  }
0x53: {  	s1 =	ssub.s32 @!p0 $0x0, s1;
	[sflag:s0] =	ssyncset.done @!p0 $0x0  }
0x54: {  	[sflag:s0] =	ssyncadd.s32 @!p0 s1  }
0x55: {  	[bflag:$0x3] =	sbarrier.arrive $0xFFFF  }
0x56: {  	_ =	shalt  }

</sc_bundles>
